<compile_context>
chip_gen: v7x
topology: tpu7x:2x2x1
jax: 0.10.2.dev20260603
libtpu: 0.0.44.dev20260713+nightly
codegen_flags: <defaults>
</compile_context>

<pallas_src>
import jax
import jax.numpy as jnp
from jax import lax
from jax.experimental import pallas as pl
from jax.experimental.pallas import tpu as pltpu
from jax.experimental.pallas import tpu_sc as plsc

N_SP = 64
N_AT = 100000
NSUB = 16
LANES = 16
CHUNK = 6256
TAIL = N_AT - (NSUB - 1) * CHUNK
ALLOC = 6272
STEPS = ALLOC // LANES
ACCS = 4
TBL = N_SP + LANES


def _sc_body(idx_hbm, shifts_hbm, part_hbm, idx_v, tbl_v, vec_v, sem0, sem1):
    sid = lax.axis_index("s")
    base = sid * CHUNK
    is_tail = sid == NSUB - 1

    tbl_cp = pltpu.async_copy(shifts_hbm, tbl_v.at[pl.ds(0, N_SP)], sem0)
    tbl_v[pl.ds(N_SP, LANES)] = jnp.zeros((LANES,), jnp.float32)
    pad = jnp.full((LANES,), N_SP, jnp.int32)

    @pl.when(jnp.logical_not(is_tail))
    def _():
        pltpu.async_copy(idx_hbm.at[pl.ds(base, CHUNK)],
                         idx_v.at[pl.ds(0, CHUNK)], sem1).wait()
        idx_v[pl.ds(CHUNK, LANES)] = pad

    @pl.when(is_tail)
    def _():
        pltpu.async_copy(idx_hbm.at[pl.ds(base, TAIL)],
                         idx_v.at[pl.ds(0, TAIL)], sem1).wait()
        for i in range(TAIL // LANES, STEPS):
            idx_v[pl.ds(i * LANES, LANES)] = pad

    tbl_cp.wait()
    zero = jnp.zeros((LANES,), jnp.float32)

    def step4(j, accs):
        a0, a1, a2, a3 = accs
        b = j * (ACCS * LANES)
        a0 = a0 + plsc.load_gather(tbl_v, [idx_v[pl.ds(b, LANES)]])
        a1 = a1 + plsc.load_gather(tbl_v, [idx_v[pl.ds(b + LANES, LANES)]])
        a2 = a2 + plsc.load_gather(tbl_v, [idx_v[pl.ds(b + 2 * LANES, LANES)]])
        a3 = a3 + plsc.load_gather(tbl_v, [idx_v[pl.ds(b + 3 * LANES, LANES)]])
        return a0, a1, a2, a3

    accs = lax.fori_loop(0, STEPS // ACCS, step4, (zero, zero, zero, zero),
                         unroll=2)
    vec_v[...] = (accs[0] + accs[1]) + (accs[2] + accs[3])
    pltpu.sync_copy(vec_v, part_hbm.at[sid])


def _tc_finish(part_ref, te_ref, ts_ref, out_ref):
    s = jnp.sum(part_ref[...]) + ts_ref[0, 0]
    out_ref[...] = te_ref[...] + s


@jax.jit
def _shift_sum(idx, shifts, te_row, ts):
    mesh = plsc.VectorSubcoreMesh(core_axis_name="c", subcore_axis_name="s",
                                  num_cores=1)
    partials = pl.kernel(
        _sc_body,
        out_type=jax.ShapeDtypeStruct((NSUB, LANES), jnp.float32),
        mesh=mesh,
        compiler_params=pltpu.CompilerParams(needs_layout_passes=False),
        scratch_types=[
            pltpu.VMEM((ALLOC,), jnp.int32),
            pltpu.VMEM((TBL,), jnp.float32),
            pltpu.VMEM((LANES,), jnp.float32),
            pltpu.SemaphoreType.DMA,
            pltpu.SemaphoreType.DMA,
        ],
    )(idx, shifts)
    return pl.pallas_call(
        _tc_finish,
        out_shape=jax.ShapeDtypeStruct((1, LANES), jnp.float32),
    )(partials, te_row, ts)


def kernel(total_energy, species_index, shifts, total_shift):
    idx = species_index.astype(jnp.int32)
    te_row = total_energy.reshape(1, LANES)
    ts = total_shift.astype(jnp.float32).reshape(1, 1)
    out = _shift_sum(idx, shifts, te_row, ts)
    return out.reshape(total_energy.shape)

# --- scband reference (transcript-rebuilt; emitter-appended) ---
"""Pipeline reference for scband-per-species-shift-65498251264659 (READ-ONLY COPY).

The authoritative reference and input builder live on the scoring server;
editing this copy changes nothing except your own understanding.
"""

import jax, jax.numpy as jnp
import numpy as np

N_SPECIES = 64
N_ATOMS = 100000
N_GRAPHS = 16


def setup_inputs(seed: int = 0) -> dict:
    key = jax.random.key(seed)
    k1, k2, k3, k4 = jax.random.split(key, 4)
    total_energy = jax.random.normal(k1, (N_GRAPHS, 1), dtype=jnp.float32)
    species_index = jax.random.randint(k2, (N_ATOMS,), 0, N_SPECIES, dtype=jnp.int64)
    # learned per-species shifts (trainable Parameter in the torch module)
    shifts = jax.random.normal(k3, (N_SPECIES,), dtype=jnp.float32) * 0.01
    total_shift = jnp.asarray(0.0, dtype=jnp.float32)
    return {
        "total_energy": total_energy,
        "species_index": species_index,
        "shifts": shifts,
        "total_shift": total_shift,
    }


def reference(total_energy, species_index, shifts, total_shift):
    # counts = torch.bincount(species_index, minlength=len(shifts))
    counts = jnp.bincount(species_index, minlength=N_SPECIES, length=N_SPECIES)
    counts = counts.astype(total_energy.dtype)
    # data[out_field] = data[field] + sum(shifts * counts) + total_shift
    shifted = total_energy + jnp.sum(shifts * counts) + total_shift
    return shifted

if __name__ == "__main__":
    import jax
    _d = setup_inputs()
    print(jax.jit(kernel)(*tuple(_d.values())))

</pallas_src>

<mosaic_0001>
#map = affine_map<(d0, d1) -> (0)>
#map1 = affine_map<(d0, d1) -> (0, 0)>
module attributes {stable_mosaic.version = 14 : i64} {
  func.func @_sc_body(%arg0: i32, %arg1: i32, %arg2: memref<100000xi32, #tpu.memory_space<hbm>>, %arg3: memref<64xf32, #tpu.memory_space<hbm>>, %arg4: memref<16x16xf32, #tpu.memory_space<hbm>>, %arg5: memref<6272xi32, #tpu.memory_space<vmem>>, %arg6: memref<80xf32, #tpu.memory_space<vmem>>, %arg7: memref<16xf32, #tpu.memory_space<vmem>>, %arg8: memref<!tpu.dma_semaphore, #tpu.memory_space<semaphore_mem>>, %arg9: memref<!tpu.dma_semaphore, #tpu.memory_space<semaphore_mem>>) attributes {dimension_semantics = [#tpu.dimension_semantics<core_parallel>, #tpu.dimension_semantics<subcore_parallel>], iteration_bounds = array<i64: 1, 16>, scalar_prefetch = 0 : i64, scratch_operands = 5 : i64, tpu.core_type = #tpu.core_type<sc_vector_subcore>, window_params = [{transform_indices = #map}, {transform_indices = #map}, {transform_indices = #map1}]} {
    %mul3A = arith.constant 6256 : i32
    %mul3A_0 = arith.muli %arg1, %mul3A : i32
    %eq3A = arith.constant 15 : i32
    %eq3A_1 = arith.cmpi eq, %arg1, %eq3A : i32
    %dma_start3A = arith.constant 0 : i32
    %dma_start3A_2 = tpu.memref_slice %arg6[%dma_start3A] : memref<80xf32, #tpu.memory_space<vmem>> -> memref<64xf32, #tpu.memory_space<vmem>>
    %dma_start3A_3 = arith.constant 0 : i32
    %dma_start3A_4 = tpu.memref_slice %arg6[%dma_start3A_3] : memref<80xf32, #tpu.memory_space<vmem>> -> memref<64xf32, #tpu.memory_space<vmem>>
    tpu.enqueue_dma source(%arg3 : memref<64xf32, #tpu.memory_space<hbm>>) target(%dma_start3A_4 : memref<64xf32, #tpu.memory_space<vmem>>) target_semaphore(%arg8 : memref<!tpu.dma_semaphore, #tpu.memory_space<semaphore_mem>>)
    %broadcast_in_dim3A = arith.constant 0.000000e+00 : f32
    %broadcast_in_dim3A_5 = vector.broadcast %broadcast_in_dim3A : f32 to vector<16xf32>
    %swap3A = arith.constant 64 : index
    %swap3A_6 = tpu.vector_load %arg6[%swap3A] {strides = array<i32>} : memref<80xf32, #tpu.memory_space<vmem>>, vector<16xf32>,
    tpu.vector_store %arg6[%swap3A], %broadcast_in_dim3A_5 {strides = array<i32>} : memref<80xf32, #tpu.memory_space<vmem>>, vector<16xf32>,
    %broadcast_in_dim3A_7 = arith.constant 64 : i32
    %broadcast_in_dim3A_8 = vector.broadcast %broadcast_in_dim3A_7 : i32 to vector<16xi32>
    %not3A = arith.constant true
    %not3A_9 = arith.xori %eq3A_1, %not3A : i1
    %convert_element_type3A = arith.extui %not3A_9 : i1 to i32
    %cond3A = arith.constant 0 : i32
    %cond3A_10 = arith.cmpi ne, %convert_element_type3A, %cond3A : i32
    scf.if %cond3A_10 {
      %dma_start3A_28 = arith.constant 0 : i32
      %dma_start3A_29 = tpu.memref_slice %arg5[%dma_start3A_28] : memref<6272xi32, #tpu.memory_space<vmem>> -> memref<6256xi32, #tpu.memory_space<vmem>>
      %dma_start3A_30 = tpu.memref_slice %arg2[%mul3A_0] : memref<100000xi32, #tpu.memory_space<hbm>> -> memref<6256xi32, #tpu.memory_space<hbm>>
      %dma_start3A_31 = arith.constant 0 : i32
      %dma_start3A_32 = tpu.memref_slice %arg5[%dma_start3A_31] : memref<6272xi32, #tpu.memory_space<vmem>> -> memref<6256xi32, #tpu.memory_space<vmem>>
      %dma_start3A_33 = tpu.memref_slice %arg2[%mul3A_0] : memref<100000xi32, #tpu.memory_space<hbm>> -> memref<6256xi32, #tpu.memory_space<hbm>>
      tpu.enqueue_dma source(%dma_start3A_33 : memref<6256xi32, #tpu.memory_space<hbm>>) target(%dma_start3A_32 : memref<6256xi32, #tpu.memory_space<vmem>>) target_semaphore(%arg9 : memref<!tpu.dma_semaphore, #tpu.memory_space<semaphore_mem>>)
      %dma_wait3A_34 = arith.constant 0 : i32
      %dma_wait3A_35 = tpu.memref_slice %arg5[%dma_wait3A_34] : memref<6272xi32, #tpu.memory_space<vmem>> -> memref<6256xi32, #tpu.memory_space<vmem>>
      %dma_wait3A_36 = tpu.memref_slice %arg2[%mul3A_0] : memref<100000xi32, #tpu.memory_space<hbm>> -> memref<6256xi32, #tpu.memory_space<hbm>>
      %dma_wait3A_37 = arith.constant 0 : i32
      %dma_wait3A_38 = tpu.memref_slice %arg5[%dma_wait3A_37] : memref<6272xi32, #tpu.memory_space<vmem>> -> memref<6256xi32, #tpu.memory_space<vmem>>
      %dma_wait3A_39 = tpu.memref_slice %arg2[%mul3A_0] : memref<100000xi32, #tpu.memory_space<hbm>> -> memref<6256xi32, #tpu.memory_space<hbm>>
      tpu.wait_dma2 semaphore(%arg9 : memref<!tpu.dma_semaphore, #tpu.memory_space<semaphore_mem>>) src(%dma_wait3A_39 : memref<6256xi32, #tpu.memory_space<hbm>>) dst(%dma_wait3A_38 : memref<6256xi32, #tpu.memory_space<vmem>>)
      %swap3A_40 = arith.constant 6256 : index
      %swap3A_41 = tpu.vector_load %arg5[%swap3A_40] {strides = array<i32>} : memref<6272xi32, #tpu.memory_space<vmem>>, vector<16xi32>,
      tpu.vector_store %arg5[%swap3A_40], %broadcast_in_dim3A_8 {strides = array<i32>} : memref<6272xi32, #tpu.memory_space<vmem>>, vector<16xi32>,
    } else {
    }
    %convert_element_type3A_11 = arith.extui %eq3A_1 : i1 to i32
    %cond3A_12 = arith.constant 0 : i32
    %cond3A_13 = arith.cmpi ne, %convert_element_type3A_11, %cond3A_12 : i32
    scf.if %cond3A_13 {
      %dma_start3A_28 = arith.constant 0 : i32
      %dma_start3A_29 = tpu.memref_slice %arg5[%dma_start3A_28] : memref<6272xi32, #tpu.memory_space<vmem>> -> memref<6160xi32, #tpu.memory_space<vmem>>
      %dma_start3A_30 = tpu.memref_slice %arg2[%mul3A_0] : memref<100000xi32, #tpu.memory_space<hbm>> -> memref<6160xi32, #tpu.memory_space<hbm>>
      %dma_start3A_31 = arith.constant 0 : i32
      %dma_start3A_32 = tpu.memref_slice %arg5[%dma_start3A_31] : memref<6272xi32, #tpu.memory_space<vmem>> -> memref<6160xi32, #tpu.memory_space<vmem>>
      %dma_start3A_33 = tpu.memref_slice %arg2[%mul3A_0] : memref<100000xi32, #tpu.memory_space<hbm>> -> memref<6160xi32, #tpu.memory_space<hbm>>
      tpu.enqueue_dma source(%dma_start3A_33 : memref<6160xi32, #tpu.memory_space<hbm>>) target(%dma_start3A_32 : memref<6160xi32, #tpu.memory_space<vmem>>) target_semaphore(%arg9 : memref<!tpu.dma_semaphore, #tpu.memory_space<semaphore_mem>>)
      %dma_wait3A_34 = arith.constant 0 : i32
      %dma_wait3A_35 = tpu.memref_slice %arg5[%dma_wait3A_34] : memref<6272xi32, #tpu.memory_space<vmem>> -> memref<6160xi32, #tpu.memory_space<vmem>>
      %dma_wait3A_36 = tpu.memref_slice %arg2[%mul3A_0] : memref<100000xi32, #tpu.memory_space<hbm>> -> memref<6160xi32, #tpu.memory_space<hbm>>
      %dma_wait3A_37 = arith.constant 0 : i32
      %dma_wait3A_38 = tpu.memref_slice %arg5[%dma_wait3A_37] : memref<6272xi32, #tpu.memory_space<vmem>> -> memref<6160xi32, #tpu.memory_space<vmem>>
      %dma_wait3A_39 = tpu.memref_slice %arg2[%mul3A_0] : memref<100000xi32, #tpu.memory_space<hbm>> -> memref<6160xi32, #tpu.memory_space<hbm>>
      tpu.wait_dma2 semaphore(%arg9 : memref<!tpu.dma_semaphore, #tpu.memory_space<semaphore_mem>>) src(%dma_wait3A_39 : memref<6160xi32, #tpu.memory_space<hbm>>) dst(%dma_wait3A_38 : memref<6160xi32, #tpu.memory_space<vmem>>)
      %swap3A_40 = arith.constant 6160 : index
      %swap3A_41 = tpu.vector_load %arg5[%swap3A_40] {strides = array<i32>} : memref<6272xi32, #tpu.memory_space<vmem>>, vector<16xi32>,
      tpu.vector_store %arg5[%swap3A_40], %broadcast_in_dim3A_8 {strides = array<i32>} : memref<6272xi32, #tpu.memory_space<vmem>>, vector<16xi32>,
      %swap3A_42 = arith.constant 6176 : index
      %swap3A_43 = tpu.vector_load %arg5[%swap3A_42] {strides = array<i32>} : memref<6272xi32, #tpu.memory_space<vmem>>, vector<16xi32>,
      tpu.vector_store %arg5[%swap3A_42], %broadcast_in_dim3A_8 {strides = array<i32>} : memref<6272xi32, #tpu.memory_space<vmem>>, vector<16xi32>,
      %swap3A_44 = arith.constant 6192 : index
      %swap3A_45 = tpu.vector_load %arg5[%swap3A_44] {strides = array<i32>} : memref<6272xi32, #tpu.memory_space<vmem>>, vector<16xi32>,
      tpu.vector_store %arg5[%swap3A_44], %broadcast_in_dim3A_8 {strides = array<i32>} : memref<6272xi32, #tpu.memory_space<vmem>>, vector<16xi32>,
      %swap3A_46 = arith.constant 6208 : index
      %swap3A_47 = tpu.vector_load %arg5[%swap3A_46] {strides = array<i32>} : memref<6272xi32, #tpu.memory_space<vmem>>, vector<16xi32>,
      tpu.vector_store %arg5[%swap3A_46], %broadcast_in_dim3A_8 {strides = array<i32>} : memref<6272xi32, #tpu.memory_space<vmem>>, vector<16xi32>,
      %swap3A_48 = arith.constant 6224 : index
      %swap3A_49 = tpu.vector_load %arg5[%swap3A_48] {strides = array<i32>} : memref<6272xi32, #tpu.memory_space<vmem>>, vector<16xi32>,
      tpu.vector_store %arg5[%swap3A_48], %broadcast_in_dim3A_8 {strides = array<i32>} : memref<6272xi32, #tpu.memory_space<vmem>>, vector<16xi32>,
      %swap3A_50 = arith.constant 6240 : index
      %swap3A_51 = tpu.vector_load %arg5[%swap3A_50] {strides = array<i32>} : memref<6272xi32, #tpu.memory_space<vmem>>, vector<16xi32>,
      tpu.vector_store %arg5[%swap3A_50], %broadcast_in_dim3A_8 {strides = array<i32>} : memref<6272xi32, #tpu.memory_space<vmem>>, vector<16xi32>,
      %swap3A_52 = arith.constant 6256 : index
      %swap3A_53 = tpu.vector_load %arg5[%swap3A_52] {strides = array<i32>} : memref<6272xi32, #tpu.memory_space<vmem>>, vector<16xi32>,
      tpu.vector_store %arg5[%swap3A_52], %broadcast_in_dim3A_8 {strides = array<i32>} : memref<6272xi32, #tpu.memory_space<vmem>>, vector<16xi32>,
    } else {
    }
    %dma_wait3A = arith.constant 0 : i32
    %dma_wait3A_14 = tpu.memref_slice %arg6[%dma_wait3A] : memref<80xf32, #tpu.memory_space<vmem>> -> memref<64xf32, #tpu.memory_space<vmem>>
    %dma_wait3A_15 = arith.constant 0 : i32
    %dma_wait3A_16 = tpu.memref_slice %arg6[%dma_wait3A_15] : memref<80xf32, #tpu.memory_space<vmem>> -> memref<64xf32, #tpu.memory_space<vmem>>
    tpu.wait_dma2 semaphore(%arg8 : memref<!tpu.dma_semaphore, #tpu.memory_space<semaphore_mem>>) src(%arg3 : memref<64xf32, #tpu.memory_space<hbm>>) dst(%dma_wait3A_16 : memref<64xf32, #tpu.memory_space<vmem>>)
    %broadcast_in_dim3A_17 = arith.constant 0.000000e+00 : f32
    %broadcast_in_dim3A_18 = vector.broadcast %broadcast_in_dim3A_17 : f32 to vector<16xf32>
    %scan3A = arith.constant 0 : i32
    %scan3A_19 = arith.constant 98 : i32
    %scan3A_20 = arith.addi %scan3A, %scan3A_19 : i32
    %scan3A_21 = arith.constant 2 : i32
    %scan3A_22:4 = scf.for %scan3A_28 = %scan3A to %scan3A_20 step %scan3A_21 iter_args(%scan3A_29 = %broadcast_in_dim3A_18, %scan3A_30 = %broadcast_in_dim3A_18, %scan3A_31 = %broadcast_in_dim3A_18, %scan3A_32 = %broadcast_in_dim3A_18) -> (vector<16xf32>, vector<16xf32>, vector<16xf32>, vector<16xf32>)  : i32 {
      %mul3A_33 = arith.constant 64 : i32
      %mul3A_34 = arith.muli %scan3A_28, %mul3A_33 : i32
      %get3A = arith.index_cast %mul3A_34 : i32 to index
      %get3A_35 = tpu.vector_load %arg5[%get3A] {strides = array<i32>} : memref<6272xi32, #tpu.memory_space<vmem>>, vector<16xi32>,
      %gather3A = tpu.vector_load_idx %arg6[%get3A_35] : memref<80xf32, #tpu.memory_space<vmem>>[vector<16xi32>], vector<16xf32>,
      %add3A_36 = arith.addf %scan3A_29, %gather3A : vector<16xf32>
      %add3A_37 = arith.constant 16 : i32
      %add3A_38 = arith.addi %mul3A_34, %add3A_37 : i32
      %get3A_39 = arith.index_cast %add3A_38 : i32 to index
      %get3A_40 = tpu.vector_load %arg5[%get3A_39] {strides = array<i32>} : memref<6272xi32, #tpu.memory_space<vmem>>, vector<16xi32>,
      %gather3A_41 = tpu.vector_load_idx %arg6[%get3A_40] : memref<80xf32, #tpu.memory_space<vmem>>[vector<16xi32>], vector<16xf32>,
      %add3A_42 = arith.addf %scan3A_30, %gather3A_41 : vector<16xf32>
      %add3A_43 = arith.constant 32 : i32
      %add3A_44 = arith.addi %mul3A_34, %add3A_43 : i32
      %get3A_45 = arith.index_cast %add3A_44 : i32 to index
      %get3A_46 = tpu.vector_load %arg5[%get3A_45] {strides = array<i32>} : memref<6272xi32, #tpu.memory_space<vmem>>, vector<16xi32>,
      %gather3A_47 = tpu.vector_load_idx %arg6[%get3A_46] : memref<80xf32, #tpu.memory_space<vmem>>[vector<16xi32>], vector<16xf32>,
      %add3A_48 = arith.addf %scan3A_31, %gather3A_47 : vector<16xf32>
      %add3A_49 = arith.constant 48 : i32
      %add3A_50 = arith.addi %mul3A_34, %add3A_49 : i32
      %get3A_51 = arith.index_cast %add3A_50 : i32 to index
      %get3A_52 = tpu.vector_load %arg5[%get3A_51] {strides = array<i32>} : memref<6272xi32, #tpu.memory_space<vmem>>, vector<16xi32>,
      %gather3A_53 = tpu.vector_load_idx %arg6[%get3A_52] : memref<80xf32, #tpu.memory_space<vmem>>[vector<16xi32>], vector<16xf32>,
      %add3A_54 = arith.addf %scan3A_32, %gather3A_53 : vector<16xf32>
      %scan3A_55 = arith.constant 1 : i32
      %scan3A_56 = arith.addi %scan3A_28, %scan3A_55 : i32
      %mul3A_57 = arith.constant 64 : i32
      %mul3A_58 = arith.muli %scan3A_56, %mul3A_57 : i32
      %get3A_59 = arith.index_cast %mul3A_58 : i32 to index
      %get3A_60 = tpu.vector_load %arg5[%get3A_59] {strides = array<i32>} : memref<6272xi32, #tpu.memory_space<vmem>>, vector<16xi32>,
      %gather3A_61 = tpu.vector_load_idx %arg6[%get3A_60] : memref<80xf32, #tpu.memory_space<vmem>>[vector<16xi32>], vector<16xf32>,
      %add3A_62 = arith.addf %add3A_36, %gather3A_61 : vector<16xf32>
      %add3A_63 = arith.constant 16 : i32
      %add3A_64 = arith.addi %mul3A_58, %add3A_63 : i32
      %get3A_65 = arith.index_cast %add3A_64 : i32 to index
      %get3A_66 = tpu.vector_load %arg5[%get3A_65] {strides = array<i32>} : memref<6272xi32, #tpu.memory_space<vmem>>, vector<16xi32>,
      %gather3A_67 = tpu.vector_load_idx %arg6[%get3A_66] : memref<80xf32, #tpu.memory_space<vmem>>[vector<16xi32>], vector<16xf32>,
      %add3A_68 = arith.addf %add3A_42, %gather3A_67 : vector<16xf32>
      %add3A_69 = arith.constant 32 : i32
      %add3A_70 = arith.addi %mul3A_58, %add3A_69 : i32
      %get3A_71 = arith.index_cast %add3A_70 : i32 to index
      %get3A_72 = tpu.vector_load %arg5[%get3A_71] {strides = array<i32>} : memref<6272xi32, #tpu.memory_space<vmem>>, vector<16xi32>,
      %gather3A_73 = tpu.vector_load_idx %arg6[%get3A_72] : memref<80xf32, #tpu.memory_space<vmem>>[vector<16xi32>], vector<16xf32>,
      %add3A_74 = arith.addf %add3A_48, %gather3A_73 : vector<16xf32>
      %add3A_75 = arith.constant 48 : i32
      %add3A_76 = arith.addi %mul3A_58, %add3A_75 : i32
      %get3A_77 = arith.index_cast %add3A_76 : i32 to index
      %get3A_78 = tpu.vector_load %arg5[%get3A_77] {strides = array<i32>} : memref<6272xi32, #tpu.memory_space<vmem>>, vector<16xi32>,
      %gather3A_79 = tpu.vector_load_idx %arg6[%get3A_78] : memref<80xf32, #tpu.memory_space<vmem>>[vector<16xi32>], vector<16xf32>,
      %add3A_80 = arith.addf %add3A_54, %gather3A_79 : vector<16xf32>
      scf.yield %add3A_62, %add3A_68, %add3A_74, %add3A_80 : vector<16xf32>, vector<16xf32>, vector<16xf32>, vector<16xf32>
    }
    %scan3A_23 = arith.constant 98 : i32
    %add3A = arith.addf %scan3A_22#0, %scan3A_22#1 : vector<16xf32>
    %add3A_24 = arith.addf %scan3A_22#2, %scan3A_22#3 : vector<16xf32>
    %add3A_25 = arith.addf %add3A, %add3A_24 : vector<16xf32>
    %swap3A_26 = arith.constant 0 : index
    %swap3A_27 = tpu.vector_load %arg7[%swap3A_26] {strides = array<i32>} : memref<16xf32, #tpu.memory_space<vmem>>, vector<16xf32>,
    tpu.vector_store %arg7[%swap3A_26], %add3A_25 {strides = array<i32>} : memref<16xf32, #tpu.memory_space<vmem>>, vector<16xf32>,
    "tpu.region"() ({
      %run_scoped3A = tpu.sem_alloc : memref<!tpu.dma_semaphore, #tpu.memory_space<semaphore_mem>>
      %dma_start3A_28 = arith.constant 0 : i32
      %dma_start3A_29 = tpu.memref_slice %arg4[%arg1, %dma_start3A_28] : memref<16x16xf32, #tpu.memory_space<hbm>> -> memref<1x16xf32, #tpu.memory_space<hbm>>
      %dma_start3A_30 = tpu.memref_squeeze %dma_start3A_29 : memref<1x16xf32, #tpu.memory_space<hbm>> -> memref<16xf32, #tpu.memory_space<hbm>>
      %dma_start3A_31 = arith.constant 0 : i32
      %dma_start3A_32 = tpu.memref_slice %arg4[%arg1, %dma_start3A_31] : memref<16x16xf32, #tpu.memory_space<hbm>> -> memref<1x16xf32, #tpu.memory_space<hbm>>
      %dma_start3A_33 = tpu.memref_squeeze %dma_start3A_32 : memref<1x16xf32, #tpu.memory_space<hbm>> -> memref<16xf32, #tpu.memory_space<hbm>>
      tpu.enqueue_dma source(%arg7 : memref<16xf32, #tpu.memory_space<vmem>>) target(%dma_start3A_33 : memref<16xf32, #tpu.memory_space<hbm>>) target_semaphore(%run_scoped3A : memref<!tpu.dma_semaphore, #tpu.memory_space<semaphore_mem>>)
      %dma_wait3A_34 = arith.constant 0 : i32
      %dma_wait3A_35 = tpu.memref_slice %arg4[%arg1, %dma_wait3A_34] : memref<16x16xf32, #tpu.memory_space<hbm>> -> memref<1x16xf32, #tpu.memory_space<hbm>>
      %dma_wait3A_36 = tpu.memref_squeeze %dma_wait3A_35 : memref<1x16xf32, #tpu.memory_space<hbm>> -> memref<16xf32, #tpu.memory_space<hbm>>
      %dma_wait3A_37 = arith.constant 0 : i32
      %dma_wait3A_38 = tpu.memref_slice %arg4[%arg1, %dma_wait3A_37] : memref<16x16xf32, #tpu.memory_space<hbm>> -> memref<1x16xf32, #tpu.memory_space<hbm>>
      %dma_wait3A_39 = tpu.memref_squeeze %dma_wait3A_38 : memref<1x16xf32, #tpu.memory_space<hbm>> -> memref<16xf32, #tpu.memory_space<hbm>>
      tpu.wait_dma2 semaphore(%run_scoped3A : memref<!tpu.dma_semaphore, #tpu.memory_space<semaphore_mem>>) src(%arg7 : memref<16xf32, #tpu.memory_space<vmem>>) dst(%dma_wait3A_39 : memref<16xf32, #tpu.memory_space<hbm>>)
      tpu.yield
    }) : () -> ()
    return
  }
}

module attributes {stable_mosaic.version = 14 : i64} {
  func.func @_tc_finish(%arg0: memref<16x16xf32, #tpu.memory_space<vmem>>, %arg1: memref<1x16xf32, #tpu.memory_space<vmem>>, %arg2: memref<1x1xf32, #tpu.memory_space<vmem>>, %arg3: memref<1x16xf32, #tpu.memory_space<vmem>>) attributes {dimension_semantics = [], scalar_prefetch = 0 : i64, scratch_operands = 0 : i64, tpu.core_type = #tpu.core_type<tc>} {
    %get3A = arith.constant 0 : index
    %get3A_0 = arith.constant 0 : index
    %get3A_1 = vector.load %arg0[%get3A, %get3A_0] : memref<16x16xf32, #tpu.memory_space<vmem>>, vector<16x16xf32>
    %reduce_sum3A = vector.shape_cast %get3A_1 : vector<16x16xf32> to vector<1x16x16xf32>
    %reduce_sum3A_2 = arith.constant dense<0.000000e+00> : vector<1xf32>
    %reduce_sum3A_3 = vector.multi_reduction <add>, %reduce_sum3A, %reduce_sum3A_2 [1, 2] : vector<1x16x16xf32> to vector<1xf32>
    %reduce_sum3A_4 = vector.shape_cast %reduce_sum3A_3 : vector<1xf32> to vector<1x1x1xf32>
    %reduce_sum3A_5 = vector.extract %reduce_sum3A_4[0, 0, 0] : f32 from vector<1x1x1xf32>
    %get3A_6 = arith.constant 0 : index
    %get3A_7 = arith.constant 0 : index
    %get3A_8 = vector.load %arg2[%get3A_6, %get3A_7] : memref<1x1xf32, #tpu.memory_space<vmem>>, vector<1x1xf32>
    %get3A_9 = vector.extract %get3A_8[0, 0] : f32 from vector<1x1xf32>
    %add3A = arith.addf %reduce_sum3A_5, %get3A_9 : f32
    %get3A_10 = arith.constant 0 : index
    %get3A_11 = arith.constant 0 : index
    %get3A_12 = vector.load %arg1[%get3A_10, %get3A_11] : memref<1x16xf32, #tpu.memory_space<vmem>>, vector<1x16xf32>
    %add3A_13 = vector.broadcast %add3A : f32 to vector<1x16xf32>
    %add3A_14 = arith.addf %get3A_12, %add3A_13 : vector<1x16xf32>
    %swap3A = arith.constant 0 : index
    %swap3A_15 = arith.constant 0 : index
    %swap3A_16 = vector.load %arg3[%swap3A, %swap3A_15] : memref<1x16xf32, #tpu.memory_space<vmem>>, vector<1x16xf32>
    tpu.vector_store %arg3[%swap3A, %swap3A_15], %add3A_14 {strides = array<i32>} : memref<1x16xf32, #tpu.memory_space<vmem>>, vector<1x16xf32>,
    return
  }
}

</mosaic_0001>

<sc_bundles>
// kernel: _shift_sum.4.cloned.1.call-start
scs
__scs_entry_jumppad:
0x0: {  	(pc) =	sbr.rel $0x88, $3  }
0x1: {  	(tag) =	ssettag $0x0;
	lr =	simm.s32 $0x1  }
0x2: {  	[smem:$0x3F9D] =	sst lr;
	_ =	strace $0xD0000000  }
0x3: {  	_ = 	snop  }
0x4: {  	_ = 	snop  }
0x5: {  	_ = 	snop  }
0x6: {  	_ = 	snop  }
0x7: {  	_ = 	snop  }
__scs_overlays_trampoline_lowered:
0x8: {  	[smem:$0x3FAC] =	sst s0  }
0x9: {  	[smem:$0x3FAD] =	sst s1  }
0xa: {  	[smem:$0x3FAE] =	sst s2  }
0xb: {  	[smem:$0x3FAF] =	sst s3  }
0xc: {  	[smem:$0x3FB0] =	sst s4  }
0xd: {  	[smem:$0x3FB1] =	sst s5  }
0xe: {  	[smem:$0x3FB2] =	sst s6  }
0xf: {  	[smem:$0x3FB3] =	sst s7  }
0x10: {  	[smem:$0x3FB4] =	sst s8  }
0x11: {  	[smem:$0x3FB5] =	sst s9;
	s0 =	simm.s32 @!p0 $0x0  }
0x12: {  	s1 =	sld [smem:$0x3F9B];
	s0 =	simm.s32 @p0 $0x1  }
0x13: {  	[smem:$0x3FB6] =	sst s0;
	s0 =	simm.s32 @!p1 $0x0  }
0x14: {  	s2 =	sld [smem:$0x3F9A];
	s0 =	simm.s32 @p1 $0x1  }
0x15: {  	[smem:$0x3FB7] =	sst s0;
	s0 =	simm.s32 @!p2 $0x0  }
0x16: {  	s3 =	sld [smem:$0x3FDB];
	s0 =	simm.s32 @p2 $0x1  }
0x17: {  	s4 =	simm.s32 $0x1BF5;
	[smem:$0x3FB9] =	sst s0  }
0x18: {  	s0 =	sld [smem:$0x3F9C];
	_ =	swait.ge [sflag:s4], $0x0  }
0x19: {  	s7 =	sld [smem:$0x3F9D]  }
0x1a: {  	s8 =	sadd.s32 $0xFFFFE003, lr  }
0x1b: {  	s9 =	sadd.s32 $0xFFFFFEF7, lr;
	s5 =	simm.s32 $0xFFFFFFFF;
	p2 =	slt.u32 s8, $0xFFFFF086  }
0x1c: {  	p1 =	slt.u32 s9, $0xF7A;
	s5 =	simm.s32 @!p2 $0x0  }
0x1d: {  	s5 =	simm.s32 @p1 $0x1;
	p0 =	seq.s32 s7, s2  }
0x1e: {  	s7 =	smul.u32 @!p0 $0xF7A, s2;
	p2 =	seq.s32 @!p0 s5, $0x0  }
0x1f: {  	s9 =	smul.u32 $0xF7A, s1;
	s8 =	simm.s32 @!p0 $0x1BF5;
	p2 =	por !p2, p0  }
0x20: {  	[sflag:s8] =	ssyncset.s32 @!p0 $0xFFFFF086;
	s6 =	sadd.s32 @!p0 s3, s7;
	s7 =	simm.s32 @!p0 $0x108  }
0x21: {  	s3 =	sadd.s32 s3, s9;
	s6 =	sadd.s32 @!p0 $0x88, s6;
	s7 =	simm.s32 @p2 $0x1082  }
0x22: {  	[simem:s7], [sflag:s8] =	dma.local @!p0 [hbm:s6], $0xF7A  }
0x23: {  	s9 =	sor.u32 $0xD0000000, s2;
	s6 =	simm.s32 $0x108;
	_ =	swait.ge @!p0 [sflag:s8], $0x0  }
0x24: {  	s3 =	sadd.s32 $0x88, s3;
	s6 =	simm.s32 @!p1 $0x1082;
	[sflag:s4] =	ssyncset.s32 $0xFFFFF086  }
0x25: {  	[simem:s6], [sflag:s4] =	dma.local [hbm:s3], $0xF7A  }
0x26: {  	[smem:$0x3F9D] =	sst s1;
	(tag) =	ssettag s2;
	_ =	strace s9  }
0x27: {  	s1 =	sld [smem:$0x3FAD]  }
0x28: {  	s2 =	sld [smem:$0x3FAE]  }
0x29: {  	s4 =	sld [smem:$0x3FB0]  }
0x2a: {  	p0 =	seq.s32 s5, $0x0;
	s5 =	sld [smem:$0x3FB1]  }
0x2b: {  	s6 =	sld [smem:$0x3FB2]  }
0x2c: {  	s7 =	sld [smem:$0x3FB3]  }
0x2d: {  	s3 =	simm.s32 $0x108;
	s8 =	sld [smem:$0x3FB4]  }
0x2e: {  	s3 =	simm.s32 @!p0 $0x1082;
	s9 =	sld [smem:$0x3FB5]  }
0x2f: {  	lr =	sadd.s32 s0, s3;
	s0 =	sld [smem:$0x3FAC]  }
0x30: {  	s3 =	sld [smem:$0x3FAF]  }
0x31: {  	[smem:$0x3FB8] =	sst s10  }
0x32: {  	s10 =	sld [smem:$0x3FB6];
	_ =	sdelay $0x3  }
0x33: {  	p0 =	seq.s32 s10, $0x1;
	s10 =	sld [smem:$0x3FB8];
	_ =	sdelay $0x3  }
0x34: {  	[smem:$0x3FB8] =	sst s10  }
0x35: {  	s10 =	sld [smem:$0x3FB7];
	_ =	sdelay $0x3  }
0x36: {  	p1 =	seq.s32 s10, $0x1;
	s10 =	sld [smem:$0x3FB8];
	_ =	sdelay $0x3  }
0x37: {  	[smem:$0x3FB8] =	sst s10  }
0x38: {  	s10 =	sld [smem:$0x3FB9]  }
0x39: {  	_ = 	snop;
	(pc) =	sbr.ind lr, $3  }
0x3a: {  	_ = 	snop  }
0x3b: {  	_ = 	snop  }
0x3c: {  	p2 =	seq.s32 s10, $0x1;
	s10 =	sld [smem:$0x3FB8]  }
0x3d: {  	_ =	shalt  }
0x3e: {  	_ =	shalt  }
0x3f: {  	_ =	shalt  }
0x40: {  	_ =	shalt  }
0x41: {  	_ =	shalt  }
0x42: {  	_ =	shalt  }
0x43: {  	_ =	shalt  }
0x44: {  	_ =	shalt  }
0x45: {  	_ =	shalt  }
0x46: {  	_ =	shalt  }
0x47: {  	_ =	shalt  }
0x48: {  	_ =	shalt  }
0x49: {  	_ =	shalt  }
0x4a: {  	_ =	shalt  }
0x4b: {  	_ =	shalt  }
0x4c: {  	_ =	shalt  }
0x4d: {  	_ =	shalt  }
0x4e: {  	_ =	shalt  }
0x4f: {  	_ =	shalt  }
0x50: {  	_ =	shalt  }
0x51: {  	_ =	shalt  }
0x52: {  	_ =	shalt  }
0x53: {  	_ =	shalt  }
0x54: {  	_ =	shalt  }
0x55: {  	_ =	shalt  }
0x56: {  	_ =	shalt  }
0x57: {  	_ =	shalt  }
0x58: {  	_ =	shalt  }
0x59: {  	_ =	shalt  }
0x5a: {  	_ =	shalt  }
0x5b: {  	_ =	shalt  }
0x5c: {  	_ =	shalt  }
0x5d: {  	_ =	shalt  }
0x5e: {  	_ =	shalt  }
0x5f: {  	_ =	shalt  }
0x60: {  	_ =	shalt  }
0x61: {  	_ =	shalt  }
0x62: {  	_ =	shalt  }
0x63: {  	_ =	shalt  }
0x64: {  	_ =	shalt  }
0x65: {  	_ =	shalt  }
0x66: {  	_ =	shalt  }
0x67: {  	_ =	shalt  }
0x68: {  	_ =	shalt  }
0x69: {  	_ =	shalt  }
0x6a: {  	_ =	shalt  }
0x6b: {  	_ =	shalt  }
0x6c: {  	_ =	shalt  }
0x6d: {  	_ =	shalt  }
0x6e: {  	_ =	shalt  }
0x6f: {  	_ =	shalt  }
0x70: {  	_ =	shalt  }
0x71: {  	_ =	shalt  }
0x72: {  	_ =	shalt  }
0x73: {  	_ =	shalt  }
0x74: {  	_ =	shalt  }
0x75: {  	_ =	shalt  }
0x76: {  	_ =	shalt  }
0x77: {  	_ =	shalt  }
0x78: {  	_ =	shalt  }
0x79: {  	_ =	shalt  }
0x7a: {  	_ =	shalt  }
0x7b: {  	_ =	shalt  }
0x7c: {  	_ =	shalt  }
0x7d: {  	_ =	shalt  }
0x7e: {  	_ =	shalt  }
0x7f: {  	_ =	shalt  }
0x80: {  	_ =	shalt  }
0x81: {  	_ =	shalt  }
0x82: {  	_ =	shalt  }
0x83: {  	_ =	shalt  }
0x84: {  	_ =	shalt  }
0x85: {  	_ =	shalt  }
0x86: {  	_ =	shalt  }
0x87: {  	_ =	shalt  }
.Lfunc_end0:
.L_simem_size_0:
called_computation_lowered:
.L_overlay_start_0:
0x88: {  	s0 =	sld [smem:$0x3FD9]  }
0x89: {  	s1 =	sld [smem:$0x3FFE];
	_ =	sdelay $0x3  }
0x8a: {  	s0 =	sadd.s32 s1, s0  }
0x8b: {  	[smem:$0x3FC4] =	sst s0  }
0x8c: {  	_ = 	snop  }
0x8d: {  	s0 =	sld [smem:$0x3FC9]  }
0x8e: {  	s16 =	sld [smem:$0x3FC8];
	(tm) =	ssettm $0x1  }
0x8f: {  	s2 =	sld [smem:$0x3FFB];
	_ =	sdelay $0x3  }
0x90: {  	_ =	strace s2  }
0x91: {  	s2 =	sld [smem:$0x3FFC];
	_ =	sdelay $0x3  }
0x92: {  	_ =	strace s2  }
0x93: {  	s2 =	sld [smem:$0x3FFD];
	_ =	sdelay $0x3  }
0x94: {  	_ =	strace s2  }
0x95: {  	_ =	strace $0x8FFFFFFF  }
0x96: {  	s17 =	sld [smem:$0x3FDB];
	_ =	sdelay $0x1  }
0x97: {  	s3 =	simm.s32 $_scs_section_size  }
0x98: {  	s4 =	simm.s32 $_size__tile_overlayer_lowered;
	s5 =	simm.s32 $_tile_overlayer_lowered  }
0x99: {  	s20 =	simm.s32 $0x1BFF;
	s19 =	sshll.u32 s5, $0x1;
	s2 =	sadd.s32 s3, s17  }
0x9a: {  	s6 =	simm.s32 $0x0;
	s18 =	sshll.u32 s4, $0x1;
	s4 =	sadd.s32 s19, s2  }
0x9b: {  	[timem:s6], [sflag:s20] =	dma.local [hbm:s4], s18  }
0x9c: {  	_ =	swait.ge [sflag:s20], s18  }
0x9d: {  	s3 =	ssub.s32 $0x0, s18;
	[sflag:s20] =	ssyncset.done $0x0  }
0x9e: {  	[sflag:s20] =	ssyncadd.s32 s3;
	_ =	sdelay $0x1  }
0x9f: {  	s21 =	simm.s32 $0x1B8B  }
0xa0: {  	_ =	swait.ge [sflag:s21], $0x1  }
0xa1: {  	[sflag:s21] =	ssyncset.done $0x0  }
0xa2: {  	s23 =	simm.s32 $0x1B8E;
	s22 =	sld [smem:$0x3FFE];
	[sflag:s21] =	ssyncadd.s32 $0xFFFFFFFF  }
0xa3: {  	s24 =	simm.s32 $execute0_lowered;
	[smem:$0x3FD2] =	sst s23  }
0xa4: {  	s4 =	sshll.u32 s24, $0x1;
	_ =	strace $0x80000046;
	[dreg:$0x1] =	wrdreg $0xFFFFFFFF  }
0xa5: {  	s25 =	simm.s32 $_size_execute0_lowered;
	s2 =	sadd.s32 s2, s4;
	[dreg:$0x0] =	wrdreg $0x0  }
0xa6: {  	s4 =	sshll.u32 s25, $0x1;
	[dreg:$0x2] =	wrdreg s2  }
0xa7: {  	[dreg:$0x3] =	wrdreg s4  }
0xa8: {  	[dreg:$0x4] =	wrdreg $0xC0  }
0xa9: {  	_ =	task [dreg:s6], $0x5FFFF  }
0xaa: {  	[dreg:$0x1] =	wrdreg $0xFFFFFFFF  }
0xab: {  	[dreg:$0x0] =	wrdreg $0x60  }
0xac: {  	[dreg:$0x2] =	wrdreg s0  }
0xad: {  	[dreg:$0x3] =	wrdreg s16  }
0xae: {  	[dreg:$0x4] =	wrdreg s22  }
0xaf: {  	[dreg:$0x5] =	wrdreg $0x9  }
0xb0: {  	_ =	task.clear_ibuf [dreg:s6], $0x6FFFF;
	_ =	strace $0x90000046  }
0xb1: {  	s26 =	simm.s32 $0x9;
	_ =	strace $0x80000048  }
0xb2: {  	_ =	swait.ge [sflag:s26], $0x1  }
0xb3: {  	[sflag:s26] =	ssyncadd.s32 $0xFFFFFFFF  }
0xb4: {  	_ =	strace $0x90000048  }
0xb5: {  	_ =	sfence  }
0xb6: {  	s28 =	sld [smem:$0x0];
	_ =	sdelay $0x1  }
0xb7: {  	s29 =	srdreg.scid  }
0xb8: {  	s30 =	sshll.u32 s29, $0xD;
	s31 =	sshrl.u32 s29, $0x2  }
0xb9: {  	s1 =	sand.u32 $0x1, s29;
	s2 =	sand.u32 $0x4000, s30;
	s0 =	sadd.s32 s31, s28  }
0xba: {  	s1 =	sor.u32 s2, s1;
	s0 =	sshll.u32 s0, $0x11  }
0xbb: {  	s0 =	sor.u32 s0, s1  }
0xbc: {  	s0 =	sadd.s32 $0x8F2B, s0  }
0xbd: {  	[sflag:s0] =	ssyncadd.remote.s32 $0x1  }
0xbe: {  	_ =	sfence.sel $0xFFFF  }
0xbf: {  	[dreg:$0x0] =	wrdreg $0xFFFFFFFF;
	(pc) =	sbr.abs _section_cstart, $3  }
0xc0: {  	[dreg:$0x1] =	wrdreg $0xFFFFFFFF  }
0xc1: {  	_ =	task.clear_ibuf [dreg:s6], $0x2FFFF;
	_ =	strace $0x9FFFFFFF  }
0xc2: {  	(tm) =	ssettm $0x7FFFFFFF  }
0xc3: {  	_ =	shalt  }
tec
execute0_lowered:
.L_overlay_start_1:
0x0: {  	(tag) =	ssettag $0x1  }
0x1: {  	s3 =	rddreg [dreg:$0x0]  }
0x2: {  	s4 =	rddreg [dreg:$0x1]  }
0x3: {  	s5 =	rddreg [dreg:$0x2]  }
0x4: {  	s0 =	rddreg [dreg:$0x3];
	s6 =	simm.s32 $0x0  }
0x5: {  	s1 =	stileid.u32;
	[smem:$0x7FF] =	sst s6  }
0x6: {  	s2 =	simm.s32 $0x1880;
	p0 =	seq.s32 s1, $0xF;
	_ =	strace $0x80000047  }
0x7: {  	v0 =	vimm.f32 $0.0e+00;
	[tilespmem:s2], [sflag:$0x1] =	stream.linear.gather [hbm4b:s4+s6], $0x40, $0x38;
	[tilespmem:$0x1980] =	vst v63  }
0x8: {  	s4 =	sadd.s32 @p0 $0x2DD2, s3;
	s6 =	simm.s32 @p0 $0x0;
	[tilespmem:$0x18C0] =	vst v0  }
0x9: {  	[tilespmem:s6], [sflag:$0x2] =	stream.linear.gather @p0 [hbm4b:s4+s6], $0x1810, $0x38;
	[tilespmem:$0x1980] =	vst v63  }
0xa: {  	s4 =	simm.s32 @p0 $0x2  }
0xb: {  	_ =	swait.ge @p0 [sflag:s4], $0x1810  }
0xc: {  	[sflag:s4] =	ssyncset.done @p0 $0x0  }
0xd: {  	v1 =	vimm.s32 @p0 $0x40;
	[sflag:s4] =	ssyncadd.s32 @p0 $0xFFFFE7F0  }
0xe: {  	[tilespmem:$0x1810] =	vst @p0 v1  }
0xf: {  	[tilespmem:$0x1820] =	vst @p0 v1  }
0x10: {  	[tilespmem:$0x1830] =	vst @p0 v1  }
0x11: {  	s4 =	smul.u32 @!p0 $0x30E, s1;
	[tilespmem:$0x1840] =	vst @p0 v1  }
0x12: {  	[tilespmem:$0x1850] =	vst @p0 v1  }
0x13: {  	[tilespmem:$0x1860] =	vst @p0 v1;
	s3 =	sadd.s32 @!p0 s3, s4;
	s4 =	simm.s32 @!p0 $0x0  }
0x14: {  	[tilespmem:s4], [sflag:$0x2] =	stream.linear.gather @!p0 [hbm4b:s3+s4], $0x1870, $0x38;
	[tilespmem:$0x1980] =	vst v63  }
0x15: {  	s3 =	simm.s32 @!p0 $0x2  }
0x16: {  	_ =	swait.ge @!p0 [sflag:s3], $0x1870  }
0x17: {  	[sflag:s3] =	ssyncset.done @!p0 $0x0  }
0x18: {  	v1 =	vimm.s32 $0x40;
	[sflag:s3] =	ssyncadd.s32 @!p0 $0xFFFFE790  }
0x19: {  	s29 =	simm.s32 $0x1;
	[tilespmem:$0x1870] =	vst v1  }
0x1a: {  	_ =	swait.ge [sflag:s29], $0x40  }
0x1b: {  	[sflag:s29] =	ssyncset.done $0x0  }
0x1c: {  	s30 =	simm.s32 $0x40;
	[sflag:s29] =	ssyncadd.s32 $0xFFFFFFC0  }
0x1d: {  	v1 =	vld [tilespmem:s30+$0x0]  }
0x1e: {  	v2 =	vld [tilespmem:s30+$0x10]  }
0x1f: {  	v3 =	vld [tilespmem:s30+$0xFFFFFFC0]  }
0x20: {  	v4 =	vld [tilespmem:s30+$0xFFFFFFD0]  }
0x21: {  	v5 =	vld [tilespmem:s30+$0xFFFFFFE0]  }
0x22: {  	v6 =	vld [tilespmem:s30+$0xFFFFFFF0]  }
0x23: {  	v7 =	vld [tilespmem:s30+$0x20]  }
0x24: {  	v12 =	vld [tilespmem:s30+$0x30]  }
0x25: {  	v1 =	vld.idx.msk [tilespmem:v1+s2+$0x0], $0xffff  }
0x26: {  	v2 =	vld.idx.msk [tilespmem:v2+s2+$0x0], $0xffff  }
0x27: {  	v8 =	vld.idx.msk [tilespmem:v3+s2+$0x0], $0xffff  }
0x28: {  	v10 =	vld.idx.msk [tilespmem:v4+s2+$0x0], $0xffff  }
0x29: {  	v9 =	vld.idx.msk [tilespmem:v5+s2+$0x0], $0xffff  }
0x2a: {  	s31 =	sshll.u32 s1, $0x4;
	v11 =	vld.idx.msk [tilespmem:v6+s2+$0x0], $0xffff  }
0x2b: {  	s3 =	sadd.s32 s31, s5;
	v6 =	vld.idx.msk [tilespmem:v7+s2+$0x0], $0xffff  }
0x2c: {  	s4 =	simm.s32 $0x0;
	s5 =	simm.s32 $0xC0;
	s3 =	sadd.s32 $0x800, s3;
	v7 =	vld.idx.msk [tilespmem:v12+s2+$0x0], $0xffff;
	v3 =	vimm.f32 $0.0e+00;
	v4 =	vimm.f32 $0.0e+00;
	v5 =	vimm.f32 $0.0e+00  }
.LBB2_1:
0x2d: {  	v12 =	vld [tilespmem:s5+$0x0]  }
0x2e: {  	v13 =	vld [tilespmem:s5+$0x10]  }
0x2f: {  	v0 =	vadd.f32 v8, v0;
	v3 =	vadd.f32 v10, v3;
	v14 =	vld [tilespmem:s5+$0xFFFFFFC0]  }
0x30: {  	v4 =	vadd.f32 v9, v4;
	v5 =	vadd.f32 v11, v5;
	v10 =	vld [tilespmem:s5+$0xFFFFFFD0]  }
0x31: {  	v0 =	vadd.f32 v1, v0;
	v3 =	vadd.f32 v2, v3;
	v9 =	vld [tilespmem:s5+$0xFFFFFFE0]  }
0x32: {  	s4 =	sadd.s32 $0x2, s4;
	v4 =	vadd.f32 v6, v4;
	v5 =	vadd.f32 v7, v5;
	v11 =	vld [tilespmem:s5+$0xFFFFFFF0]  }
0x33: {  	p0 =	slt.u32 s4, $0x60;
	v6 =	vld [tilespmem:s5+$0x20]  }
0x34: {  	v7 =	vld [tilespmem:s5+$0x30]  }
0x35: {  	v1 =	vld.idx.msk [tilespmem:v12+s2+$0x0], $0xffff  }
0x36: {  	v2 =	vld.idx.msk [tilespmem:v13+s2+$0x0], $0xffff  }
0x37: {  	v8 =	vld.idx.msk [tilespmem:v14+s2+$0x0], $0xffff  }
.Ltmp0:
0x38: {  	v10 =	vld.idx.msk [tilespmem:v10+s2+$0x0], $0xffff;
	(pc) =	sbr.rel @p0 .LBB2_1-.Ltmp0, $4  }
0x39: {  	v9 =	vld.idx.msk [tilespmem:v9+s2+$0x0], $0xffff  }
0x3a: {  	v11 =	vld.idx.msk [tilespmem:v11+s2+$0x0], $0xffff  }
0x3b: {  	v6 =	vld.idx.msk [tilespmem:v6+s2+$0x0], $0xffff  }
0x3c: {  	s5 =	sadd.s32 $0x80, s5;
	v7 =	vld.idx.msk [tilespmem:v7+s2+$0x0], $0xffff  }
0x3d: {  	_ = 	snop  }
0x3e: {  	v0 =	vadd.f32 v8, v0;
	v3 =	vadd.f32 v10, v3  }
0x3f: {  	v4 =	vadd.f32 v9, v4;
	v5 =	vadd.f32 v11, v5  }
0x40: {  	v0 =	vadd.f32 v1, v0;
	v60 =	vadd.f32 v2, v3  }
0x41: {  	v61 =	vadd.f32 v6, v4;
	v62 =	vadd.f32 v7, v5;
	_ =	sdelay $0x1  }
0x42: {  	v0 =	vadd.f32 v60, v0;
	v63 =	vadd.f32 v62, v61;
	_ =	sdelay $0x1  }
0x43: {  	v0 =	vadd.f32 v63, v0;
	_ =	sdelay $0x1  }
0x44: {  	s2 =	simm.s32 $0x0;
	s4 =	simm.s32 $0x1900;
	s31 =	simm.s32 $0x3;
	[tilespmem:$0x1900] =	vst v0  }
0x45: {  	[hbm4b:s3+s2] =	stream.linear.scatter [tilespmem:s4], [sflag:$0x3], $0x80, $0x38;
	[tilespmem:$0x1980] =	vst v63  }
0x46: {  	_ =	swait.ge [sflag:s31], $0x80  }
0x47: {  	[sflag:s31] =	ssyncset.done $0x0  }
0x48: {  	[sflag:s31] =	ssyncadd.s32 $0xFFFFFF80  }
0x49: {  	_ =	sfence.sel $0x180000  }
0x4a: {  	[bflag:$0x0] =	sbarrier.arrive $0xFFFF  }
0x4b: {  	p0 =	sne.s32 s1, $0x0;
	_ =	strace $0x90000047  }
0x4c: {  	s0 =	sadd.s32 @!p0 $0x100000, s0;
	[bflag:$0x2] =	sbarrier.arrive $0xFFFF  }
0x4d: {  	[sflag:s0] =	ssyncadd.tile.s32 @!p0 $0x1;
	_ =	shalt  }
.Lfunc_end2:
_tile_overlayer_lowered:
.L_overlay_start_2:
0x4e: {  	(tag) =	ssettag $0x2  }
0x4f: {  	s0 =	rddreg [dreg:$0x0];
	s2 =	stileid.u32  }
0x50: {  	s1 =	rddreg [dreg:$0x1];
	p0 =	sne.s32 s2, $0x0  }
0x51: {  	s3 =	rddreg [dreg:$0x2];
	[bflag:$0x3] =	sbarrier.arrive $0xFFFF;
	s2 =	simm.s32 @!p0 $0x1C03  }
0x52: {  	[timem:s3], [sflag:s2] =	dma.local @!p0 [hbm:s0], s1  }
0x53: {  	s0 =	simm.s32 @!p0 $0x3  }
0x54: {  	_ =	swait.ge @!p0 [sflag:s0], s1  }
0x55: {  	s1 =	ssub.s32 @!p0 $0x0, s1;
	[sflag:s0] =	ssyncset.done @!p0 $0x0  }
0x56: {  	[sflag:s0] =	ssyncadd.s32 @!p0 s1  }
0x57: {  	[bflag:$0x3] =	sbarrier.arrive $0xFFFF  }
0x58: {  	_ =	shalt  }

</sc_bundles>
